<compile_context>
chip_gen: v7x
topology: tpu7x:2x2x1
jax: 0.10.2.dev20260603
libtpu: 0.0.44.dev20260713+nightly
codegen_flags: <defaults>
</compile_context>

<pallas_src>
import dataclasses
import functools

import jax
import jax.numpy as jnp
from jax import lax
from jax.experimental import pallas as pl
from jax.experimental.pallas import tpu as pltpu
from jax.experimental.pallas import tpu_sc as plsc

R = 16384
C = 1000
B = 200
NC, NS, L = 2, 16, 16
NW = NC * NS
ROWS_PER_W = R // NW
BLK = 32
NBLK = ROWS_PER_W // BLK
STR = 128
BPS = STR // BLK


def kernel(input1, input2):
    idx_t = input2.astype(jnp.int32).T
    mesh = plsc.VectorSubcoreMesh(core_axis_name="c", subcore_axis_name="s")
    cp = pltpu.CompilerParams()
    fields = pltpu.CompilerParams.__dataclass_fields__
    if "needs_layout_passes" in fields:
        cp = dataclasses.replace(cp, needs_layout_passes=False)
    if "disable_bounds_checks" in fields:
        cp = dataclasses.replace(cp, disable_bounds_checks=True)

    @functools.partial(
        pl.kernel,
        compiler_params=cp,
        out_type=jax.ShapeDtypeStruct((B, R), jnp.float32),
        mesh=mesh,
        scratch_types=[
            pltpu.VMEM((2, BLK, C), jnp.float32),
            pltpu.VMEM((B, STR), jnp.int32),
            pltpu.VMEM((B, STR), jnp.float32),
            pltpu.SemaphoreType.DMA((2,)),
        ],
    )
    def k(tbl_hbm, idx_hbm, out_hbm, rows_v, idx_v, out_v, st_):
        wid = lax.axis_index("s") * NC + lax.axis_index("c")
        row0 = wid * ROWS_PER_W

        rowvec = [lax.iota(jnp.int32, L) + ic * L for ic in range(BLK // L)]

        def tbl_copy(g, bslot):
            return pltpu.make_async_copy(
                tbl_hbm.at[pl.ds(row0 + g * BLK, BLK)],
                rows_v.at[bslot], st_.at[bslot])

        tbl_copy(0, 0).start()

        @pl.loop(0, NBLK)
        def _(g):
            b = lax.rem(g, 2)
            tbrel = lax.rem(g, BPS)
            stripe0 = row0 + (g // BPS) * STR

            @pl.when(tbrel == 0)
            def _():
                pltpu.sync_copy(idx_hbm.at[:, pl.ds(stripe0, STR)], idx_v)

            @pl.when(g + 1 < NBLK)
            def _():
                tbl_copy(g + 1, 1 - b).start()

            tbl_copy(g, b).wait()
            rows_b = rows_v.at[b]

            @pl.loop(0, B, step=2)
            def _(j):
                work = []
                for dj in (0, 1):
                    for ic in range(BLK // L):
                        o = tbrel * BLK + ic * L
                        work.append(
                            (dj, o, rowvec[ic], idx_v[j + dj, pl.ds(o, L)]))
                vals = [(dj, o, plsc.load_gather(rows_b, [rv, col]))
                        for (dj, o, rv, col) in work]
                for (dj, o, v) in vals:
                    out_v[j + dj, pl.ds(o, L)] = v

            @pl.when(tbrel == BPS - 1)
            def _():
                pltpu.sync_copy(out_v, out_hbm.at[:, pl.ds(stripe0, STR)])

    out_t = k(input1, idx_t)
    return out_t.T

# --- scband reference (transcript-rebuilt; emitter-appended) ---
"""Pipeline reference for scband-gather-85461259256412 (READ-ONLY COPY).

The authoritative reference and input builder live on the scoring server;
editing this copy changes nothing except your own understanding.
"""

import jax, jax.numpy as jnp
import numpy as np


def setup_inputs(seed: int = 0) -> dict:
    key = jax.random.key(seed)
    k1, k2 = jax.random.split(key)
    input1 = jax.random.normal(k1, (16384, 1000), dtype=jnp.float32)
    input2 = jax.random.randint(k2, (16384, 200), 0, 1000, dtype=jnp.int32).astype(jnp.int64)
    return {"input1": input1, "input2": input2}


def reference(input1, input2):
    # torch.gather(input1, dim=1, index=input2) == take_along_axis on axis 1
    return jnp.take_along_axis(input1, input2, axis=1)

if __name__ == "__main__":
    import jax
    _d = setup_inputs()
    print(jax.jit(kernel)(*tuple(_d.values())))

</pallas_src>

<mosaic_0001>
#map = affine_map<(d0, d1) -> (0, 0)>
module attributes {stable_mosaic.version = 14 : i64} {
  func.func @k(%arg0: i32, %arg1: i32, %arg2: memref<16384x1000xf32, #tpu.memory_space<hbm>>, %arg3: memref<200x16384xi32, #tpu.memory_space<hbm>>, %arg4: memref<200x16384xf32, #tpu.memory_space<hbm>>, %arg5: memref<2x32x1000xf32, #tpu.memory_space<vmem>>, %arg6: memref<200x128xi32, #tpu.memory_space<vmem>>, %arg7: memref<200x128xf32, #tpu.memory_space<vmem>>, %arg8: memref<2x!tpu.dma_semaphore, #tpu.memory_space<semaphore_mem>>) attributes {dimension_semantics = [#tpu.dimension_semantics<core_parallel>, #tpu.dimension_semantics<subcore_parallel>], iteration_bounds = array<i64: 2, 16>, scalar_prefetch = 0 : i64, scratch_operands = 4 : i64, tpu.core_type = #tpu.core_type<sc_vector_subcore>, window_params = [{transform_indices = #map}, {transform_indices = #map}, {transform_indices = #map}]} {
    %mul3A = arith.constant 2 : i32
    %mul3A_0 = arith.muli %arg1, %mul3A : i32
    %add3A = arith.addi %mul3A_0, %arg0 : i32
    %mul3A_1 = arith.constant 512 : i32
    %mul3A_2 = arith.muli %add3A, %mul3A_1 : i32
    %iota3A = tpu.iota {dimensions = array<i32: 0>} : vector<16xi32>
    %add3A_3 = arith.constant 0 : i32
    %add3A_4 = vector.broadcast %add3A_3 : i32 to vector<16xi32>
    %add3A_5 = arith.addi %iota3A, %add3A_4 : vector<16xi32>
    %iota3A_6 = tpu.iota {dimensions = array<i32: 0>} : vector<16xi32>
    %add3A_7 = arith.constant 16 : i32
    %add3A_8 = vector.broadcast %add3A_7 : i32 to vector<16xi32>
    %add3A_9 = arith.addi %iota3A_6, %add3A_8 : vector<16xi32>
    %add3A_10 = arith.constant 0 : i32
    %add3A_11 = arith.addi %mul3A_2, %add3A_10 : i32
    %dma_start3A = arith.constant 0 : i32
    %dma_start3A_12 = arith.constant 0 : i32
    %dma_start3A_13 = arith.constant 0 : i32
    %dma_start3A_14 = arith.constant 0 : i32
    %dma_start3A_15 = tpu.memref_slice %arg5[%dma_start3A, %dma_start3A_13, %dma_start3A_14] : memref<2x32x1000xf32, #tpu.memory_space<vmem>> -> memref<1x32x1000xf32, #tpu.memory_space<vmem>>
    %dma_start3A_16 = tpu.memref_squeeze %dma_start3A_15 : memref<1x32x1000xf32, #tpu.memory_space<vmem>> -> memref<32x1000xf32, #tpu.memory_space<vmem>>
    %dma_start3A_17 = arith.constant 0 : i32
    %dma_start3A_18 = tpu.memref_slice %arg2[%add3A_11, %dma_start3A_17] : memref<16384x1000xf32, #tpu.memory_space<hbm>> -> memref<32x1000xf32, #tpu.memory_space<hbm>>
    %dma_start3A_19 = tpu.memref_slice %arg8[%dma_start3A_12] : memref<2x!tpu.dma_semaphore, #tpu.memory_space<semaphore_mem>> -> memref<1x!tpu.dma_semaphore, #tpu.memory_space<semaphore_mem>>
    %dma_start3A_20 = tpu.memref_squeeze %dma_start3A_19 : memref<1x!tpu.dma_semaphore, #tpu.memory_space<semaphore_mem>> -> memref<!tpu.dma_semaphore, #tpu.memory_space<semaphore_mem>>
    %dma_start3A_21 = arith.constant 0 : i32
    %dma_start3A_22 = arith.constant 0 : i32
    %dma_start3A_23 = tpu.memref_slice %arg5[%dma_start3A, %dma_start3A_21, %dma_start3A_22] : memref<2x32x1000xf32, #tpu.memory_space<vmem>> -> memref<1x32x1000xf32, #tpu.memory_space<vmem>>
    %dma_start3A_24 = tpu.memref_squeeze %dma_start3A_23 : memref<1x32x1000xf32, #tpu.memory_space<vmem>> -> memref<32x1000xf32, #tpu.memory_space<vmem>>
    %dma_start3A_25 = arith.constant 0 : i32
    %dma_start3A_26 = tpu.memref_slice %arg2[%add3A_11, %dma_start3A_25] : memref<16384x1000xf32, #tpu.memory_space<hbm>> -> memref<32x1000xf32, #tpu.memory_space<hbm>>
    tpu.enqueue_dma source(%dma_start3A_26 : memref<32x1000xf32, #tpu.memory_space<hbm>>) target(%dma_start3A_24 : memref<32x1000xf32, #tpu.memory_space<vmem>>) target_semaphore(%dma_start3A_20 : memref<!tpu.dma_semaphore, #tpu.memory_space<semaphore_mem>>)
    %scan3A = arith.constant 0 : i32
    %scan3A_27 = arith.constant 16 : i32
    %scan3A_28 = arith.addi %scan3A, %scan3A_27 : i32
    %scan3A_29 = arith.constant 1 : i32
    scf.for %scan3A_31 = %scan3A to %scan3A_28 step %scan3A_29  : i32 {
      %mul3A_32 = arith.constant 1 : i32
      %mul3A_33 = arith.muli %scan3A_31, %mul3A_32 : i32
      %add3A_34 = arith.constant 0 : i32
      %add3A_35 = arith.addi %add3A_34, %mul3A_33 : i32
      %rem3A = arith.constant 2 : i32
      %rem3A_36 = arith.remsi %add3A_35, %rem3A : i32
      %rem3A_37 = arith.constant 4 : i32
      %rem3A_38 = arith.remsi %add3A_35, %rem3A_37 : i32
      %jit3A = arith.constant 4 : i32
      %div3A = arith.divsi %add3A_35, %jit3A : i32
      %sign3A = arith.constant 0 : i32
      %sign3A_39 = arith.cmpi sgt, %add3A_35, %sign3A : i32
      %sign3A_40 = arith.extui %sign3A_39 : i1 to i32
      %sign3A_41 = arith.constant 0 : i32
      %sign3A_42 = arith.cmpi slt, %add3A_35, %sign3A_41 : i32
      %sign3A_43 = arith.extui %sign3A_42 : i1 to i32
      %sign3A_44 = arith.subi %sign3A_40, %sign3A_43 : i32
      %sign3A_45 = arith.constant 0 : i32
      %sign3A_46 = arith.cmpi sgt, %jit3A, %sign3A_45 : i32
      %sign3A_47 = arith.extui %sign3A_46 : i1 to i32
      %sign3A_48 = arith.constant 0 : i32
      %sign3A_49 = arith.cmpi slt, %jit3A, %sign3A_48 : i32
      %sign3A_50 = arith.extui %sign3A_49 : i1 to i32
      %sign3A_51 = arith.subi %sign3A_47, %sign3A_50 : i32
      %ne3A = arith.cmpi ne, %sign3A_44, %sign3A_51 : i32
      %rem3A_52 = arith.remsi %add3A_35, %jit3A : i32
      %ne3A_53 = arith.constant 0 : i32
      %ne3A_54 = arith.cmpi ne, %rem3A_52, %ne3A_53 : i32
      %and3A = arith.andi %ne3A, %ne3A_54 : i1
      %sub3A = arith.constant 1 : i32
      %sub3A_55 = arith.subi %div3A, %sub3A : i32
      %select_n3A = arith.select %and3A, %sub3A_55, %div3A : i32
      %mul3A_56 = arith.constant 128 : i32
      %mul3A_57 = arith.muli %select_n3A, %mul3A_56 : i32
      %add3A_58 = arith.addi %mul3A_2, %mul3A_57 : i32
      %eq3A = arith.constant 0 : i32
      %eq3A_59 = arith.cmpi eq, %rem3A_38, %eq3A : i32
      %convert_element_type3A = arith.extui %eq3A_59 : i1 to i32
      %cond3A = arith.constant 0 : i32
      %cond3A_60 = arith.cmpi ne, %convert_element_type3A, %cond3A : i32
      scf.if %cond3A_60 {
        "tpu.region"() ({
          %run_scoped3A = tpu.sem_alloc : memref<!tpu.dma_semaphore, #tpu.memory_space<semaphore_mem>>
          %dma_start3A_93 = arith.constant 0 : i32
          %dma_start3A_94 = tpu.memref_slice %arg3[%dma_start3A_93, %add3A_58] : memref<200x16384xi32, #tpu.memory_space<hbm>> -> memref<200x128xi32, #tpu.memory_space<hbm>>
          %dma_start3A_95 = arith.constant 0 : i32
          %dma_start3A_96 = tpu.memref_slice %arg3[%dma_start3A_95, %add3A_58] : memref<200x16384xi32, #tpu.memory_space<hbm>> -> memref<200x128xi32, #tpu.memory_space<hbm>>
          tpu.enqueue_dma source(%dma_start3A_96 : memref<200x128xi32, #tpu.memory_space<hbm>>) target(%arg6 : memref<200x128xi32, #tpu.memory_space<vmem>>) target_semaphore(%run_scoped3A : memref<!tpu.dma_semaphore, #tpu.memory_space<semaphore_mem>>)
          %dma_wait3A_97 = arith.constant 0 : i32
          %dma_wait3A_98 = tpu.memref_slice %arg3[%dma_wait3A_97, %add3A_58] : memref<200x16384xi32, #tpu.memory_space<hbm>> -> memref<200x128xi32, #tpu.memory_space<hbm>>
          %dma_wait3A_99 = arith.constant 0 : i32
          %dma_wait3A_100 = tpu.memref_slice %arg3[%dma_wait3A_99, %add3A_58] : memref<200x16384xi32, #tpu.memory_space<hbm>> -> memref<200x128xi32, #tpu.memory_space<hbm>>
          tpu.wait_dma2 semaphore(%run_scoped3A : memref<!tpu.dma_semaphore, #tpu.memory_space<semaphore_mem>>) src(%dma_wait3A_100 : memref<200x128xi32, #tpu.memory_space<hbm>>) dst(%arg6 : memref<200x128xi32, #tpu.memory_space<vmem>>)
          tpu.yield
        }) : () -> ()
      } else {
      }
      %add3A_61 = arith.constant 1 : i32
      %add3A_62 = arith.addi %add3A_35, %add3A_61 : i32
      %lt3A = arith.constant 16 : i32
      %lt3A_63 = arith.cmpi slt, %add3A_62, %lt3A : i32
      %convert_element_type3A_64 = arith.extui %lt3A_63 : i1 to i32
      %cond3A_65 = arith.constant 0 : i32
      %cond3A_66 = arith.cmpi ne, %convert_element_type3A_64, %cond3A_65 : i32
      scf.if %cond3A_66 {
        %add3A_93 = arith.constant 1 : i32
        %add3A_94 = arith.addi %add3A_35, %add3A_93 : i32
        %sub3A_95 = arith.constant 1 : i32
        %sub3A_96 = arith.subi %sub3A_95, %rem3A_36 : i32
        %mul3A_97 = arith.constant 32 : i32
        %mul3A_98 = arith.muli %add3A_94, %mul3A_97 : i32
        %add3A_99 = arith.addi %mul3A_2, %mul3A_98 : i32
        %dma_start3A_100 = arith.constant 0 : i32
        %dma_start3A_101 = arith.constant 0 : i32
        %dma_start3A_102 = tpu.memref_slice %arg5[%sub3A_96, %dma_start3A_100, %dma_start3A_101] : memref<2x32x1000xf32, #tpu.memory_space<vmem>> -> memref<1x32x1000xf32, #tpu.memory_space<vmem>>
        %dma_start3A_103 = tpu.memref_squeeze %dma_start3A_102 : memref<1x32x1000xf32, #tpu.memory_space<vmem>> -> memref<32x1000xf32, #tpu.memory_space<vmem>>
        %dma_start3A_104 = arith.constant 0 : i32
        %dma_start3A_105 = tpu.memref_slice %arg2[%add3A_99, %dma_start3A_104] : memref<16384x1000xf32, #tpu.memory_space<hbm>> -> memref<32x1000xf32, #tpu.memory_space<hbm>>
        %dma_start3A_106 = tpu.memref_slice %arg8[%sub3A_96] : memref<2x!tpu.dma_semaphore, #tpu.memory_space<semaphore_mem>> -> memref<1x!tpu.dma_semaphore, #tpu.memory_space<semaphore_mem>>
        %dma_start3A_107 = tpu.memref_squeeze %dma_start3A_106 : memref<1x!tpu.dma_semaphore, #tpu.memory_space<semaphore_mem>> -> memref<!tpu.dma_semaphore, #tpu.memory_space<semaphore_mem>>
        %dma_start3A_108 = arith.constant 0 : i32
        %dma_start3A_109 = arith.constant 0 : i32
        %dma_start3A_110 = tpu.memref_slice %arg5[%sub3A_96, %dma_start3A_108, %dma_start3A_109] : memref<2x32x1000xf32, #tpu.memory_space<vmem>> -> memref<1x32x1000xf32, #tpu.memory_space<vmem>>
        %dma_start3A_111 = tpu.memref_squeeze %dma_start3A_110 : memref<1x32x1000xf32, #tpu.memory_space<vmem>> -> memref<32x1000xf32, #tpu.memory_space<vmem>>
        %dma_start3A_112 = arith.constant 0 : i32
        %dma_start3A_113 = tpu.memref_slice %arg2[%add3A_99, %dma_start3A_112] : memref<16384x1000xf32, #tpu.memory_space<hbm>> -> memref<32x1000xf32, #tpu.memory_space<hbm>>
        tpu.enqueue_dma source(%dma_start3A_113 : memref<32x1000xf32, #tpu.memory_space<hbm>>) target(%dma_start3A_111 : memref<32x1000xf32, #tpu.memory_space<vmem>>) target_semaphore(%dma_start3A_107 : memref<!tpu.dma_semaphore, #tpu.memory_space<semaphore_mem>>)
      } else {
      }
      %mul3A_67 = arith.constant 32 : i32
      %mul3A_68 = arith.muli %add3A_35, %mul3A_67 : i32
      %add3A_69 = arith.addi %mul3A_2, %mul3A_68 : i32
      %dma_wait3A = arith.constant 0 : i32
      %dma_wait3A_70 = arith.constant 0 : i32
      %dma_wait3A_71 = tpu.memref_slice %arg5[%rem3A_36, %dma_wait3A, %dma_wait3A_70] : memref<2x32x1000xf32, #tpu.memory_space<vmem>> -> memref<1x32x1000xf32, #tpu.memory_space<vmem>>
      %dma_wait3A_72 = tpu.memref_squeeze %dma_wait3A_71 : memref<1x32x1000xf32, #tpu.memory_space<vmem>> -> memref<32x1000xf32, #tpu.memory_space<vmem>>
      %dma_wait3A_73 = arith.constant 0 : i32
      %dma_wait3A_74 = tpu.memref_slice %arg2[%add3A_69, %dma_wait3A_73] : memref<16384x1000xf32, #tpu.memory_space<hbm>> -> memref<32x1000xf32, #tpu.memory_space<hbm>>
      %dma_wait3A_75 = tpu.memref_slice %arg8[%rem3A_36] : memref<2x!tpu.dma_semaphore, #tpu.memory_space<semaphore_mem>> -> memref<1x!tpu.dma_semaphore, #tpu.memory_space<semaphore_mem>>
      %dma_wait3A_76 = tpu.memref_squeeze %dma_wait3A_75 : memref<1x!tpu.dma_semaphore, #tpu.memory_space<semaphore_mem>> -> memref<!tpu.dma_semaphore, #tpu.memory_space<semaphore_mem>>
      %dma_wait3A_77 = arith.constant 0 : i32
      %dma_wait3A_78 = arith.constant 0 : i32
      %dma_wait3A_79 = tpu.memref_slice %arg5[%rem3A_36, %dma_wait3A_77, %dma_wait3A_78] : memref<2x32x1000xf32, #tpu.memory_space<vmem>> -> memref<1x32x1000xf32, #tpu.memory_space<vmem>>
      %dma_wait3A_80 = tpu.memref_squeeze %dma_wait3A_79 : memref<1x32x1000xf32, #tpu.memory_space<vmem>> -> memref<32x1000xf32, #tpu.memory_space<vmem>>
      %dma_wait3A_81 = arith.constant 0 : i32
      %dma_wait3A_82 = tpu.memref_slice %arg2[%add3A_69, %dma_wait3A_81] : memref<16384x1000xf32, #tpu.memory_space<hbm>> -> memref<32x1000xf32, #tpu.memory_space<hbm>>
      tpu.wait_dma2 semaphore(%dma_wait3A_76 : memref<!tpu.dma_semaphore, #tpu.memory_space<semaphore_mem>>) src(%dma_wait3A_82 : memref<32x1000xf32, #tpu.memory_space<hbm>>) dst(%dma_wait3A_80 : memref<32x1000xf32, #tpu.memory_space<vmem>>)
      %scan3A_83 = arith.constant 0 : i32
      %scan3A_84 = arith.constant 100 : i32
      %scan3A_85 = arith.addi %scan3A_83, %scan3A_84 : i32
      %scan3A_86 = arith.constant 1 : i32
      scf.for %scan3A_93 = %scan3A_83 to %scan3A_85 step %scan3A_86  : i32 {
        %mul3A_94 = arith.constant 2 : i32
        %mul3A_95 = arith.muli %scan3A_93, %mul3A_94 : i32
        %add3A_96 = arith.constant 0 : i32
        %add3A_97 = arith.addi %add3A_96, %mul3A_95 : i32
        %mul3A_98 = arith.constant 32 : i32
        %mul3A_99 = arith.muli %rem3A_38, %mul3A_98 : i32
        %add3A_100 = arith.constant 0 : i32
        %add3A_101 = arith.addi %mul3A_99, %add3A_100 : i32
        %add3A_102 = arith.constant 0 : i32
        %add3A_103 = arith.addi %add3A_97, %add3A_102 : i32
        %get3A = arith.index_cast %add3A_103 : i32 to index
        %get3A_104 = arith.index_cast %add3A_101 : i32 to index
        %get3A_105 = tpu.vector_load %arg6[%get3A, %get3A_104] {strides = array<i32>} : memref<200x128xi32, #tpu.memory_space<vmem>>, vector<16xi32>,
        %mul3A_106 = arith.constant 32 : i32
        %mul3A_107 = arith.muli %rem3A_38, %mul3A_106 : i32
        %add3A_108 = arith.constant 16 : i32
        %add3A_109 = arith.addi %mul3A_107, %add3A_108 : i32
        %add3A_110 = arith.constant 0 : i32
        %add3A_111 = arith.addi %add3A_97, %add3A_110 : i32
        %get3A_112 = arith.index_cast %add3A_111 : i32 to index
        %get3A_113 = arith.index_cast %add3A_109 : i32 to index
        %get3A_114 = tpu.vector_load %arg6[%get3A_112, %get3A_113] {strides = array<i32>} : memref<200x128xi32, #tpu.memory_space<vmem>>, vector<16xi32>,
        %mul3A_115 = arith.constant 32 : i32
        %mul3A_116 = arith.muli %rem3A_38, %mul3A_115 : i32
        %add3A_117 = arith.constant 0 : i32
        %add3A_118 = arith.addi %mul3A_116, %add3A_117 : i32
        %add3A_119 = arith.constant 1 : i32
        %add3A_120 = arith.addi %add3A_97, %add3A_119 : i32
        %get3A_121 = arith.index_cast %add3A_120 : i32 to index
        %get3A_122 = arith.index_cast %add3A_118 : i32 to index
        %get3A_123 = tpu.vector_load %arg6[%get3A_121, %get3A_122] {strides = array<i32>} : memref<200x128xi32, #tpu.memory_space<vmem>>, vector<16xi32>,
        %mul3A_124 = arith.constant 32 : i32
        %mul3A_125 = arith.muli %rem3A_38, %mul3A_124 : i32
        %add3A_126 = arith.constant 16 : i32
        %add3A_127 = arith.addi %mul3A_125, %add3A_126 : i32
        %add3A_128 = arith.constant 1 : i32
        %add3A_129 = arith.addi %add3A_97, %add3A_128 : i32
        %get3A_130 = arith.index_cast %add3A_129 : i32 to index
        %get3A_131 = arith.index_cast %add3A_127 : i32 to index
        %get3A_132 = tpu.vector_load %arg6[%get3A_130, %get3A_131] {strides = array<i32>} : memref<200x128xi32, #tpu.memory_space<vmem>>, vector<16xi32>,
        %gather3A = arith.constant 0 : i32
        %gather3A_133 = arith.constant 0 : i32
        %gather3A_134 = tpu.memref_slice %arg5[%rem3A_36, %gather3A, %gather3A_133] : memref<2x32x1000xf32, #tpu.memory_space<vmem>> -> memref<1x32x1000xf32, #tpu.memory_space<vmem>>
        %gather3A_135 = tpu.memref_squeeze %gather3A_134 : memref<1x32x1000xf32, #tpu.memory_space<vmem>> -> memref<32x1000xf32, #tpu.memory_space<vmem>>
        %gather3A_136 = tpu.vector_load_idx %gather3A_135[%add3A_5, %get3A_105] : memref<32x1000xf32, #tpu.memory_space<vmem>>[vector<16xi32>, vector<16xi32>], vector<16xf32>,
        %gather3A_137 = arith.constant 0 : i32
        %gather3A_138 = arith.constant 0 : i32
        %gather3A_139 = tpu.memref_slice %arg5[%rem3A_36, %gather3A_137, %gather3A_138] : memref<2x32x1000xf32, #tpu.memory_space<vmem>> -> memref<1x32x1000xf32, #tpu.memory_space<vmem>>
        %gather3A_140 = tpu.memref_squeeze %gather3A_139 : memref<1x32x1000xf32, #tpu.memory_space<vmem>> -> memref<32x1000xf32, #tpu.memory_space<vmem>>
        %gather3A_141 = tpu.vector_load_idx %gather3A_140[%add3A_9, %get3A_114] : memref<32x1000xf32, #tpu.memory_space<vmem>>[vector<16xi32>, vector<16xi32>], vector<16xf32>,
        %gather3A_142 = arith.constant 0 : i32
        %gather3A_143 = arith.constant 0 : i32
        %gather3A_144 = tpu.memref_slice %arg5[%rem3A_36, %gather3A_142, %gather3A_143] : memref<2x32x1000xf32, #tpu.memory_space<vmem>> -> memref<1x32x1000xf32, #tpu.memory_space<vmem>>
        %gather3A_145 = tpu.memref_squeeze %gather3A_144 : memref<1x32x1000xf32, #tpu.memory_space<vmem>> -> memref<32x1000xf32, #tpu.memory_space<vmem>>
        %gather3A_146 = tpu.vector_load_idx %gather3A_145[%add3A_5, %get3A_123] : memref<32x1000xf32, #tpu.memory_space<vmem>>[vector<16xi32>, vector<16xi32>], vector<16xf32>,
        %gather3A_147 = arith.constant 0 : i32
        %gather3A_148 = arith.constant 0 : i32
        %gather3A_149 = tpu.memref_slice %arg5[%rem3A_36, %gather3A_147, %gather3A_148] : memref<2x32x1000xf32, #tpu.memory_space<vmem>> -> memref<1x32x1000xf32, #tpu.memory_space<vmem>>
        %gather3A_150 = tpu.memref_squeeze %gather3A_149 : memref<1x32x1000xf32, #tpu.memory_space<vmem>> -> memref<32x1000xf32, #tpu.memory_space<vmem>>
        %gather3A_151 = tpu.vector_load_idx %gather3A_150[%add3A_9, %get3A_132] : memref<32x1000xf32, #tpu.memory_space<vmem>>[vector<16xi32>, vector<16xi32>], vector<16xf32>,
        %add3A_152 = arith.constant 0 : i32
        %add3A_153 = arith.addi %add3A_97, %add3A_152 : i32
        %swap3A = arith.index_cast %add3A_153 : i32 to index
        %swap3A_154 = arith.index_cast %add3A_101 : i32 to index
        %swap3A_155 = tpu.vector_load %arg7[%swap3A, %swap3A_154] {strides = array<i32>} : memref<200x128xf32, #tpu.memory_space<vmem>>, vector<16xf32>,
        tpu.vector_store %arg7[%swap3A, %swap3A_154], %gather3A_136 {strides = array<i32>} : memref<200x128xf32, #tpu.memory_space<vmem>>, vector<16xf32>,
        %add3A_156 = arith.constant 0 : i32
        %add3A_157 = arith.addi %add3A_97, %add3A_156 : i32
        %swap3A_158 = arith.index_cast %add3A_157 : i32 to index
        %swap3A_159 = arith.index_cast %add3A_109 : i32 to index
        %swap3A_160 = tpu.vector_load %arg7[%swap3A_158, %swap3A_159] {strides = array<i32>} : memref<200x128xf32, #tpu.memory_space<vmem>>, vector<16xf32>,
        tpu.vector_store %arg7[%swap3A_158, %swap3A_159], %gather3A_141 {strides = array<i32>} : memref<200x128xf32, #tpu.memory_space<vmem>>, vector<16xf32>,
        %add3A_161 = arith.constant 1 : i32
        %add3A_162 = arith.addi %add3A_97, %add3A_161 : i32
        %swap3A_163 = arith.index_cast %add3A_162 : i32 to index
        %swap3A_164 = arith.index_cast %add3A_118 : i32 to index
        %swap3A_165 = tpu.vector_load %arg7[%swap3A_163, %swap3A_164] {strides = array<i32>} : memref<200x128xf32, #tpu.memory_space<vmem>>, vector<16xf32>,
        tpu.vector_store %arg7[%swap3A_163, %swap3A_164], %gather3A_146 {strides = array<i32>} : memref<200x128xf32, #tpu.memory_space<vmem>>, vector<16xf32>,
        %add3A_166 = arith.constant 1 : i32
        %add3A_167 = arith.addi %add3A_97, %add3A_166 : i32
        %swap3A_168 = arith.index_cast %add3A_167 : i32 to index
        %swap3A_169 = arith.index_cast %add3A_127 : i32 to index
        %swap3A_170 = tpu.vector_load %arg7[%swap3A_168, %swap3A_169] {strides = array<i32>} : memref<200x128xf32, #tpu.memory_space<vmem>>, vector<16xf32>,
        tpu.vector_store %arg7[%swap3A_168, %swap3A_169], %gather3A_151 {strides = array<i32>} : memref<200x128xf32, #tpu.memory_space<vmem>>, vector<16xf32>,
      }
      %scan3A_87 = arith.constant 100 : i32
      %eq3A_88 = arith.constant 3 : i32
      %eq3A_89 = arith.cmpi eq, %rem3A_38, %eq3A_88 : i32
      %convert_element_type3A_90 = arith.extui %eq3A_89 : i1 to i32
      %cond3A_91 = arith.constant 0 : i32
      %cond3A_92 = arith.cmpi ne, %convert_element_type3A_90, %cond3A_91 : i32
      scf.if %cond3A_92 {
        "tpu.region"() ({
          %run_scoped3A = tpu.sem_alloc : memref<!tpu.dma_semaphore, #tpu.memory_space<semaphore_mem>>
          %dma_start3A_93 = arith.constant 0 : i32
          %dma_start3A_94 = tpu.memref_slice %arg4[%dma_start3A_93, %add3A_58] : memref<200x16384xf32, #tpu.memory_space<hbm>> -> memref<200x128xf32, #tpu.memory_space<hbm>>
          %dma_start3A_95 = arith.constant 0 : i32
          %dma_start3A_96 = tpu.memref_slice %arg4[%dma_start3A_95, %add3A_58] : memref<200x16384xf32, #tpu.memory_space<hbm>> -> memref<200x128xf32, #tpu.memory_space<hbm>>
          tpu.enqueue_dma source(%arg7 : memref<200x128xf32, #tpu.memory_space<vmem>>) target(%dma_start3A_96 : memref<200x128xf32, #tpu.memory_space<hbm>>) target_semaphore(%run_scoped3A : memref<!tpu.dma_semaphore, #tpu.memory_space<semaphore_mem>>)
          %dma_wait3A_97 = arith.constant 0 : i32
          %dma_wait3A_98 = tpu.memref_slice %arg4[%dma_wait3A_97, %add3A_58] : memref<200x16384xf32, #tpu.memory_space<hbm>> -> memref<200x128xf32, #tpu.memory_space<hbm>>
          %dma_wait3A_99 = arith.constant 0 : i32
          %dma_wait3A_100 = tpu.memref_slice %arg4[%dma_wait3A_99, %add3A_58] : memref<200x16384xf32, #tpu.memory_space<hbm>> -> memref<200x128xf32, #tpu.memory_space<hbm>>
          tpu.wait_dma2 semaphore(%run_scoped3A : memref<!tpu.dma_semaphore, #tpu.memory_space<semaphore_mem>>) src(%arg7 : memref<200x128xf32, #tpu.memory_space<vmem>>) dst(%dma_wait3A_100 : memref<200x128xf32, #tpu.memory_space<hbm>>)
          tpu.yield
        }) : () -> ()
      } else {
      }
    }
    %scan3A_30 = arith.constant 16 : i32
    return
  }
}

</mosaic_0001>

<sc_bundles>
// kernel: kernel.3.cloned.1.call-start
scs
__scs_entry_jumppad:
0x0: {  	(pc) =	sbr.rel $0x88, $3  }
0x1: {  	(tag) =	ssettag $0x0;
	lr =	simm.s32 $0x1  }
0x2: {  	[smem:$0x3F9F] =	sst lr;
	_ =	strace $0xD0000000  }
0x3: {  	_ = 	snop  }
0x4: {  	_ = 	snop  }
0x5: {  	_ = 	snop  }
0x6: {  	_ = 	snop  }
0x7: {  	_ = 	snop  }
__scs_overlays_trampoline_lowered:
0x8: {  	[smem:$0x3FAE] =	sst s0  }
0x9: {  	[smem:$0x3FAF] =	sst s1  }
0xa: {  	[smem:$0x3FB0] =	sst s2  }
0xb: {  	[smem:$0x3FB1] =	sst s3  }
0xc: {  	[smem:$0x3FB2] =	sst s4  }
0xd: {  	[smem:$0x3FB3] =	sst s5  }
0xe: {  	[smem:$0x3FB4] =	sst s6  }
0xf: {  	[smem:$0x3FB5] =	sst s7  }
0x10: {  	[smem:$0x3FB6] =	sst s8  }
0x11: {  	[smem:$0x3FB7] =	sst s9;
	s0 =	simm.s32 @!p0 $0x0  }
0x12: {  	s1 =	sld [smem:$0x3F9D];
	s0 =	simm.s32 @p0 $0x1  }
0x13: {  	[smem:$0x3FB8] =	sst s0;
	s0 =	simm.s32 @!p1 $0x0  }
0x14: {  	s2 =	sld [smem:$0x3F9C];
	s0 =	simm.s32 @p1 $0x1  }
0x15: {  	[smem:$0x3FB9] =	sst s0;
	s0 =	simm.s32 @!p2 $0x0  }
0x16: {  	s3 =	sld [smem:$0x3FDB];
	s0 =	simm.s32 @p2 $0x1  }
0x17: {  	s4 =	simm.s32 $0x1BF5;
	[smem:$0x3FBB] =	sst s0  }
0x18: {  	s0 =	sld [smem:$0x3F9E];
	_ =	swait.ge [sflag:s4], $0x0  }
0x19: {  	s7 =	sld [smem:$0x3F9F]  }
0x1a: {  	s8 =	sadd.s32 $0xFFFFE003, lr  }
0x1b: {  	s9 =	sadd.s32 $0xFFFFFEF7, lr;
	s5 =	simm.s32 $0xFFFFFFFF;
	p2 =	slt.u32 s8, $0xFFFFF086  }
0x1c: {  	p1 =	slt.u32 s9, $0xF7A;
	s5 =	simm.s32 @!p2 $0x0  }
0x1d: {  	s5 =	simm.s32 @p1 $0x1;
	p0 =	seq.s32 s7, s2  }
0x1e: {  	s7 =	smul.u32 @!p0 $0xF7A, s2;
	p2 =	seq.s32 @!p0 s5, $0x0  }
0x1f: {  	s9 =	smul.u32 $0xF7A, s1;
	s8 =	simm.s32 @!p0 $0x1BF5;
	p2 =	por !p2, p0  }
0x20: {  	[sflag:s8] =	ssyncset.s32 @!p0 $0xFFFFF086;
	s6 =	sadd.s32 @!p0 s3, s7;
	s7 =	simm.s32 @!p0 $0x108  }
0x21: {  	s3 =	sadd.s32 s3, s9;
	s6 =	sadd.s32 @!p0 $0x88, s6;
	s7 =	simm.s32 @p2 $0x1082  }
0x22: {  	[simem:s7], [sflag:s8] =	dma.local @!p0 [hbm:s6], $0xF7A  }
0x23: {  	s9 =	sor.u32 $0xD0000000, s2;
	s6 =	simm.s32 $0x108;
	_ =	swait.ge @!p0 [sflag:s8], $0x0  }
0x24: {  	s3 =	sadd.s32 $0x88, s3;
	s6 =	simm.s32 @!p1 $0x1082;
	[sflag:s4] =	ssyncset.s32 $0xFFFFF086  }
0x25: {  	[simem:s6], [sflag:s4] =	dma.local [hbm:s3], $0xF7A  }
0x26: {  	[smem:$0x3F9F] =	sst s1;
	(tag) =	ssettag s2;
	_ =	strace s9  }
0x27: {  	s1 =	sld [smem:$0x3FAF]  }
0x28: {  	s2 =	sld [smem:$0x3FB0]  }
0x29: {  	s4 =	sld [smem:$0x3FB2]  }
0x2a: {  	p0 =	seq.s32 s5, $0x0;
	s5 =	sld [smem:$0x3FB3]  }
0x2b: {  	s6 =	sld [smem:$0x3FB4]  }
0x2c: {  	s7 =	sld [smem:$0x3FB5]  }
0x2d: {  	s3 =	simm.s32 $0x108;
	s8 =	sld [smem:$0x3FB6]  }
0x2e: {  	s3 =	simm.s32 @!p0 $0x1082;
	s9 =	sld [smem:$0x3FB7]  }
0x2f: {  	lr =	sadd.s32 s0, s3;
	s0 =	sld [smem:$0x3FAE]  }
0x30: {  	s3 =	sld [smem:$0x3FB1]  }
0x31: {  	[smem:$0x3FBA] =	sst s10  }
0x32: {  	s10 =	sld [smem:$0x3FB8];
	_ =	sdelay $0x3  }
0x33: {  	p0 =	seq.s32 s10, $0x1;
	s10 =	sld [smem:$0x3FBA];
	_ =	sdelay $0x3  }
0x34: {  	[smem:$0x3FBA] =	sst s10  }
0x35: {  	s10 =	sld [smem:$0x3FB9];
	_ =	sdelay $0x3  }
0x36: {  	p1 =	seq.s32 s10, $0x1;
	s10 =	sld [smem:$0x3FBA];
	_ =	sdelay $0x3  }
0x37: {  	[smem:$0x3FBA] =	sst s10  }
0x38: {  	s10 =	sld [smem:$0x3FBB]  }
0x39: {  	_ = 	snop;
	(pc) =	sbr.ind lr, $3  }
0x3a: {  	_ = 	snop  }
0x3b: {  	_ = 	snop  }
0x3c: {  	p2 =	seq.s32 s10, $0x1;
	s10 =	sld [smem:$0x3FBA]  }
0x3d: {  	_ =	shalt  }
0x3e: {  	_ =	shalt  }
0x3f: {  	_ =	shalt  }
0x40: {  	_ =	shalt  }
0x41: {  	_ =	shalt  }
0x42: {  	_ =	shalt  }
0x43: {  	_ =	shalt  }
0x44: {  	_ =	shalt  }
0x45: {  	_ =	shalt  }
0x46: {  	_ =	shalt  }
0x47: {  	_ =	shalt  }
0x48: {  	_ =	shalt  }
0x49: {  	_ =	shalt  }
0x4a: {  	_ =	shalt  }
0x4b: {  	_ =	shalt  }
0x4c: {  	_ =	shalt  }
0x4d: {  	_ =	shalt  }
0x4e: {  	_ =	shalt  }
0x4f: {  	_ =	shalt  }
0x50: {  	_ =	shalt  }
0x51: {  	_ =	shalt  }
0x52: {  	_ =	shalt  }
0x53: {  	_ =	shalt  }
0x54: {  	_ =	shalt  }
0x55: {  	_ =	shalt  }
0x56: {  	_ =	shalt  }
0x57: {  	_ =	shalt  }
0x58: {  	_ =	shalt  }
0x59: {  	_ =	shalt  }
0x5a: {  	_ =	shalt  }
0x5b: {  	_ =	shalt  }
0x5c: {  	_ =	shalt  }
0x5d: {  	_ =	shalt  }
0x5e: {  	_ =	shalt  }
0x5f: {  	_ =	shalt  }
0x60: {  	_ =	shalt  }
0x61: {  	_ =	shalt  }
0x62: {  	_ =	shalt  }
0x63: {  	_ =	shalt  }
0x64: {  	_ =	shalt  }
0x65: {  	_ =	shalt  }
0x66: {  	_ =	shalt  }
0x67: {  	_ =	shalt  }
0x68: {  	_ =	shalt  }
0x69: {  	_ =	shalt  }
0x6a: {  	_ =	shalt  }
0x6b: {  	_ =	shalt  }
0x6c: {  	_ =	shalt  }
0x6d: {  	_ =	shalt  }
0x6e: {  	_ =	shalt  }
0x6f: {  	_ =	shalt  }
0x70: {  	_ =	shalt  }
0x71: {  	_ =	shalt  }
0x72: {  	_ =	shalt  }
0x73: {  	_ =	shalt  }
0x74: {  	_ =	shalt  }
0x75: {  	_ =	shalt  }
0x76: {  	_ =	shalt  }
0x77: {  	_ =	shalt  }
0x78: {  	_ =	shalt  }
0x79: {  	_ =	shalt  }
0x7a: {  	_ =	shalt  }
0x7b: {  	_ =	shalt  }
0x7c: {  	_ =	shalt  }
0x7d: {  	_ =	shalt  }
0x7e: {  	_ =	shalt  }
0x7f: {  	_ =	shalt  }
0x80: {  	_ =	shalt  }
0x81: {  	_ =	shalt  }
0x82: {  	_ =	shalt  }
0x83: {  	_ =	shalt  }
0x84: {  	_ =	shalt  }
0x85: {  	_ =	shalt  }
0x86: {  	_ =	shalt  }
0x87: {  	_ =	shalt  }
.Lfunc_end0:
.L_simem_size_0:
called_computation_lowered:
.L_overlay_start_0:
0x88: {  	s2 =	sld [smem:$0x3FD9]  }
0x89: {  	s3 =	sld [smem:$0x3FFE];
	_ =	sdelay $0x1  }
0x8a: {  	s1 =	srdreg.scid  }
0x8b: {  	s0 =	sand.u32 $0x1, s1  }
0x8c: {  	s17 =	sshll.u32 s0, $0xA;
	s2 =	sadd.s32 s3, s2  }
0x8d: {  	s2 =	sadd.s32 s2, s17  }
0x8e: {  	[smem:$0x3FC6] =	sst s2  }
0x8f: {  	_ = 	snop  }
0x90: {  	s2 =	sld [smem:$0x3FC8]  }
0x91: {  	s18 =	sld [smem:$0x3FD0];
	(tm) =	ssettm $0x1  }
0x92: {  	s4 =	sld [smem:$0x3FFB];
	_ =	sdelay $0x3  }
0x93: {  	_ =	strace s4  }
0x94: {  	s4 =	sld [smem:$0x3FFC];
	_ =	sdelay $0x3  }
0x95: {  	_ =	strace s4  }
0x96: {  	s4 =	sld [smem:$0x3FFD];
	_ =	sdelay $0x3  }
0x97: {  	_ =	strace s4  }
0x98: {  	_ =	strace $0x8FFFFFFF  }
0x99: {  	s19 =	sld [smem:$0x3FDB];
	_ =	sdelay $0x1  }
0x9a: {  	s5 =	simm.s32 $_scs_section_size  }
0x9b: {  	s6 =	simm.s32 $_size__tile_overlayer_lowered;
	s7 =	simm.s32 $_tile_overlayer_lowered  }
0x9c: {  	s22 =	simm.s32 $0x1BFF;
	s21 =	sshll.u32 s7, $0x1;
	s4 =	sadd.s32 s5, s19  }
0x9d: {  	s8 =	simm.s32 $0x0;
	s20 =	sshll.u32 s6, $0x1;
	s6 =	sadd.s32 s21, s4  }
0x9e: {  	[timem:s8], [sflag:s22] =	dma.local [hbm:s6], s20  }
0x9f: {  	_ =	swait.ge [sflag:s22], s20  }
0xa0: {  	s5 =	ssub.s32 $0x0, s20;
	[sflag:s22] =	ssyncset.done $0x0  }
0xa1: {  	[sflag:s22] =	ssyncadd.s32 s5;
	_ =	sdelay $0x1  }
0xa2: {  	s23 =	simm.s32 $0x1B8B  }
0xa3: {  	_ =	swait.ge [sflag:s23], $0x1  }
0xa4: {  	[sflag:s23] =	ssyncset.done $0x0  }
0xa5: {  	s25 =	simm.s32 $0x1B8E;
	s24 =	sld [smem:$0x3FFE];
	[sflag:s23] =	ssyncadd.s32 $0xFFFFFFFF  }
0xa6: {  	s26 =	simm.s32 $execute0_lowered;
	[smem:$0x3FD2] =	sst s25  }
0xa7: {  	s6 =	sshll.u32 s26, $0x1;
	_ =	strace $0x80000046;
	[dreg:$0x1] =	wrdreg $0xFFFFFFFF  }
0xa8: {  	s28 =	simm.s32 $_size_execute0_lowered;
	s4 =	sadd.s32 s4, s6;
	[dreg:$0x0] =	wrdreg $0x0  }
0xa9: {  	s6 =	sshll.u32 s28, $0x1;
	[dreg:$0x2] =	wrdreg s4  }
0xaa: {  	[dreg:$0x3] =	wrdreg s6  }
0xab: {  	[dreg:$0x4] =	wrdreg $0xC0  }
0xac: {  	_ =	task [dreg:s8], $0x5FFFF  }
0xad: {  	[dreg:$0x1] =	wrdreg $0xFFFFFFFF  }
0xae: {  	[dreg:$0x0] =	wrdreg $0x60  }
0xaf: {  	[dreg:$0x2] =	wrdreg s24  }
0xb0: {  	[dreg:$0x3] =	wrdreg s2  }
0xb1: {  	[dreg:$0x4] =	wrdreg s18  }
0xb2: {  	[dreg:$0x5] =	wrdreg $0x9  }
0xb3: {  	_ =	task.clear_ibuf [dreg:s8], $0x6FFFF;
	_ =	strace $0x90000046  }
0xb4: {  	s29 =	simm.s32 $0x9;
	_ =	strace $0x80000048  }
0xb5: {  	_ =	swait.ge [sflag:s29], $0x1  }
0xb6: {  	[sflag:s29] =	ssyncadd.s32 $0xFFFFFFFF  }
0xb7: {  	_ =	strace $0x90000048  }
0xb8: {  	_ =	sfence  }
0xb9: {  	s30 =	sld [smem:$0x0];
	_ =	sdelay $0x2  }
0xba: {  	s31 =	sshll.u32 s1, $0xD;
	s1 =	sshrl.u32 s1, $0x2  }
0xbb: {  	s3 =	sand.u32 $0x4000, s31;
	s1 =	sadd.s32 s1, s30  }
0xbc: {  	s0 =	sor.u32 s3, s0;
	s1 =	sshll.u32 s1, $0x11  }
0xbd: {  	s0 =	sor.u32 s1, s0  }
0xbe: {  	s0 =	sadd.s32 $0x8F2B, s0  }
0xbf: {  	[sflag:s0] =	ssyncadd.remote.s32 $0x1  }
0xc0: {  	_ =	sfence.sel $0xFFFF  }
0xc1: {  	[dreg:$0x0] =	wrdreg $0xFFFFFFFF;
	(pc) =	sbr.abs _section_cstart, $3  }
0xc2: {  	[dreg:$0x1] =	wrdreg $0xFFFFFFFF  }
0xc3: {  	_ =	task.clear_ibuf [dreg:s8], $0x2FFFF;
	_ =	strace $0x9FFFFFFF  }
0xc4: {  	(tm) =	ssettm $0x7FFFFFFF  }
0xc5: {  	_ =	shalt  }
tec
execute0_lowered:
.L_overlay_start_1:
0x0: {  	(tag) =	ssettag $0x1  }
0x1: {  	v0 =	vimm.s32 $0x2380;
	vm0 =	vcmask $0x300;
	v1 =	vimm.s32 $0x6380  }
0x2: {  	vm1 =	vcmask $0x704;
	v0 =	vsel vm0, $0x0, v0;
	v1 =	vsel vm0, $0x4000, v1  }
0x3: {  	vm15 =	vcmask $0xB08;
	v0 =	vsel vm1, $0x80, v0;
	v1 =	vsel vm1, $0x4080, v1  }
0x4: {  	vm4 =	vcmask $0xF0C;
	v0 =	vsel vm15, $0x100, v0;
	v1 =	vsel vm15, $0x4100, v1  }
0x5: {  	vm5 =	vcmask $0x1310;
	v0 =	vsel vm4, $0x180, v0;
	v1 =	vsel vm4, $0x4180, v1  }
0x6: {  	vm6 =	vcmask $0x1714;
	v0 =	vsel vm5, $0x200, v0;
	v1 =	vsel vm5, $0x4200, v1  }
0x7: {  	vm7 =	vcmask $0x1B18;
	v0 =	vsel vm6, $0x280, v0;
	v1 =	vsel vm6, $0x4280, v1  }
0x8: {  	vm8 =	vcmask $0x1F1C;
	v0 =	vsel vm7, $0x300, v0;
	v1 =	vsel vm7, $0x4300, v1  }
0x9: {  	s6 =	rddreg [dreg:$0x0];
	vm9 =	vcmask $0x2320;
	v0 =	vsel vm8, $0x380, v0;
	v1 =	vsel vm8, $0x4380, v1  }
0xa: {  	s0 =	rddreg [dreg:$0x1];
	s2 =	srdreg.scid;
	vm10 =	vcmask $0x2724;
	v0 =	vsel vm9, $0x2000, v0;
	v1 =	vsel vm9, $0x6000, v1  }
0xb: {  	s3 =	rddreg [dreg:$0x2];
	s1 =	stileid.u32;
	vm11 =	vcmask $0x2B28;
	s7 =	sand.u32 $0x1, s2;
	v0 =	vsel vm10, $0x2080, v0;
	v1 =	vsel vm10, $0x6080, v1  }
0xc: {  	vm12 =	vcmask $0x2F2C;
	s4 =	simm.s32 $0x0;
	s5 =	sshll.u32 s1, $0xA;
	s8 =	sshll.u32 s7, $0x9;
	v0 =	vsel vm11, $0x2100, v0;
	v1 =	vsel vm11, $0x6100, v1  }
0xd: {  	vm13 =	vcmask $0x3330;
	s2 =	rddreg [dreg:$0x3];
	s7 =	ssub.s32 $0x2, s7;
	s5 =	sor.u32 s8, s5;
	v0 =	vsel vm12, $0x2180, v0;
	v1 =	vsel vm12, $0x6180, v1  }
0xe: {  	vm14 =	vcmask $0x3734;
	[smem:$0x7FF] =	sst s4;
	s9 =	sshrl.u32 s7, $0x1;
	s8 =	sshll.u32 s5, $0x7;
	v0 =	vsel vm13, $0x2200, v0;
	v1 =	vsel vm13, $0x6200, v1  }
0xf: {  	_ =	strace $0x80000047;
	vm15 =	vcmask $0x3B38;
	s7 =	ssub.s32 s7, s9;
	s6 =	sadd.s32 s8, s6;
	v0 =	vsel vm14, $0x2280, v0;
	v1 =	vsel vm14, $0x6280, v1  }
0x10: {  	s7 =	smax.u32 s7, $0x1;
	s8 =	simm.s32 $0x0;
	s6 =	sadd.s32 $0x400, s6;
	v0 =	vsel vm15, $0x2300, v0;
	v1 =	vsel vm15, $0x6300, v1  }
.LBB2_1:
0x11: {  	[tilespmem:s4], [sflag:$0x1] =	stream.linear.gather [hbm4b:s6+s4], $0x8000, $0x38;
	[tilespmem:$0x1C800] =	vst v63  }
0x12: {  	s9 =	simm.s32 $0x0;
	s10 =	simm.s32 $0x0  }
.LBB2_2:
0x13: {  	s12 =	sshll.u32 s10, $0x5;
	s11 =	sand.u32 $0x3, s10  }
0x14: {  	s12 =	sand.u32 $0x180, s12;
	p0 =	sne.s32 s11, $0x0  }
0x15: {  	s12 =	sor.u32 s5, s12;
	s14 =	simm.s32 @!p0 $0x400  }
0x16: {  	s15 =	simm.s32 @!p0 $0x20000;
	s16 =	simm.s32 @!p0 $0x10000;
	s13 =	sadd.s32 @!p0 s0, s12  }
0x17: {  	[tilespmem:s16], [sflag:$0x4] =	stream.strided.gather @!p0 [hbm4b:s13+s14], $0x6400, s15, s14, $0x38;
	[tilespmem:$0x1C800] =	vst v63  }
0x18: {  	s28 =	sshll.u32 s9, $0x5;
	s13 =	simm.s32 @!p0 $0x4  }
0x19: {  	s15 =	sand.u32 $0x1, s10;
	s14 =	sand.u32 $0x60, s28;
	_ =	swait.ge @!p0 [sflag:s13], $0x6400  }
0x1a: {  	s29 =	sor.u32 $0x10090, s14;
	s30 =	sadd.s32 $0x1, s15;
	[sflag:s13] =	ssyncset.done @!p0 $0x0  }
0x1b: {  	[sflag:s13] =	ssyncadd.s32 @!p0 $0xFFFF9C00;
	p0 =	seq.s32 s10, $0xF;
	s10 =	sadd.s32 $0x1, s10  }
0x1c: {  	s13 =	sxor.u32 @!p0 $0x1, s15;
	s17 =	sshll.u32 @!p0 s10, $0xC;
	s19 =	simm.s32 @!p0 $0x0  }
0x1d: {  	v3 =	vmov s29;
	s18 =	sshll.u32 @!p0 s13, $0xF;
	s13 =	sadd.s32 @!p0 $0x1, s13;
	s17 =	sadd.s32 @!p0 s17, s6  }
0x1e: {  	[tilespmem:s18], [sflag:s13] =	stream.linear.gather @!p0 [hbm4b:s17+s19], $0x8000, $0x38;
	[tilespmem:$0x1C800] =	vst v63  }
0x1f: {  	_ =	swait.ge [sflag:s30], $0x8000  }
0x20: {  	[sflag:s30] =	ssyncset.done $0x0  }
0x21: {  	s13 =	simm.s32 $0x0;
	[sflag:s30] =	ssyncadd.s32 $0xFFFF8000  }
0x22: {  	v8 =	vld.idx.msk [tilespmem:v3+s13+$0xFFFFFFF0 ss:$0x1], $0xffff  }
0x23: {  	v6 =	vld.idx.msk [tilespmem:v3+s13+$0xFFFFFF70 ss:$0x1], $0xffff  }
0x24: {  	v4 =	vld.idx.msk [tilespmem:v3+s13+$0xFFFFFF80 ss:$0x1], $0xffff;
	_ =	sdelay $0x1  }
0x25: {  	s31 =	sor.u32 $0x16400, s14;
	v5 =	vld.idx.msk [tilespmem:v3+s13+$0x0 ss:$0x1], $0xffff  }
0x26: {  	s14 =	sshll.u32 s15, $0xF;
	v2 =	vmov s31;
	s15 =	simm.s32 $0x400;
	v7 =	vand.u32 $0x7F, v8;
	v8 =	vshll.u32 v8, $0x3  }
.LBB2_3:
0x27: {  	p0 =	sne.s32 s15, $0x18C00;
	v9 =	vand.u32 $0x7F, v6;
	v6 =	vshll.u32 v6, $0x3;
	v8 =	vand.u32 $0xFFFFFC00, v8;
	s16 =	smov.u32 s15;
	s15 =	sadd.s32 $0x400, s15  }
0x28: {  	v10 =	vshll.u32 v4, $0x3;
	v6 =	vand.u32 $0xFFFFFC00, v6;
	v7 =	vor.u32 v7, v8  }
0x29: {  	v8 =	vand.u32 $0xFFFFFC00, v10;
	v6 =	vor.u32 v9, v6;
	v7 =	vadd.s32 v0, v7  }
0x2a: {  	v4 =	vand.u32 $0x7F, v4;
	s16 =	sshra.s32 s16, $0x2;
	v9 =	vshll.u32 v5, $0x3;
	v6 =	vadd.s32 v0, v6  }
0x2b: {  	v4 =	vor.u32 v4, v8;
	v5 =	vand.u32 $0x7F, v5;
	v8 =	vand.u32 $0xFFFFFC00, v9  }
0x2c: {  	v4 =	vadd.s32 v1, v4;
	v5 =	vor.u32 v5, v8  }
0x2d: {  	v5 =	vadd.s32 v1, v5;
	_ =	sdelay $0x1  }
0x2e: {  	v7 =	vld.idx.msk [tilespmem:v7+s14+$0x0], $0xffff  }
0x2f: {  	v6 =	vld.idx.msk [tilespmem:v6+s14+$0x0], $0xffff  }
0x30: {  	v4 =	vld.idx.msk [tilespmem:v4+s14+$0x0], $0xffff  }
0x31: {  	v5 =	vld.idx.msk [tilespmem:v5+s14+$0x0], $0xffff;
	_ =	sdelay $0x2  }
0x32: {  	[tilespmem:v2+s13+$0x80 ss:$0x1] =	vst.idx.msk $0xffff, v7  }
0x33: {  	[tilespmem:v2+s13+$0x0 ss:$0x1] =	vst.idx.msk $0xffff, v6  }
0x34: {  	[tilespmem:v2+s13+$0x10 ss:$0x1] =	vst.idx.msk $0xffff, v4  }
0x35: {  	[tilespmem:v2+s13+$0x90 ss:$0x1] =	vst.idx.msk $0xffff, v5;
	s13 =	smov.u32 s16  }
0x36: {  	v8 =	vld.idx.msk [tilespmem:v3+s13+$0xFFFFFFF0 ss:$0x1], $0xffff  }
0x37: {  	v6 =	vld.idx.msk [tilespmem:v3+s13+$0xFFFFFF70 ss:$0x1], $0xffff  }
.Ltmp0:
0x38: {  	v4 =	vld.idx.msk [tilespmem:v3+s13+$0xFFFFFF80 ss:$0x1], $0xffff;
	(pc) =	sbr.rel @p0 .LBB2_3-.Ltmp0, $3  }
0x39: {  	_ = 	snop  }
0x3a: {  	v5 =	vld.idx.msk [tilespmem:v3+s13+$0x0 ss:$0x1], $0xffff;
	_ =	sdelay $0x1  }
0x3b: {  	v7 =	vand.u32 $0x7F, v8;
	v8 =	vshll.u32 v8, $0x3  }
0x3c: {  	v3 =	vand.u32 $0x7F, v6;
	v57 =	vshll.u32 v6, $0x3;
	v8 =	vand.u32 $0xFFFFFC00, v8  }
0x3d: {  	v9 =	vshll.u32 v4, $0x3;
	v59 =	vand.u32 $0x7F, v4;
	v6 =	vand.u32 $0xFFFFFC00, v57  }
0x3e: {  	v7 =	vor.u32 v7, v8;
	v58 =	vand.u32 $0xFFFFFC00, v9;
	v3 =	vor.u32 v3, v6  }
0x3f: {  	v7 =	vadd.s32 v0, v7;
	v60 =	vshll.u32 v5, $0x3;
	v4 =	vor.u32 v59, v58  }
0x40: {  	v61 =	vand.u32 $0x7F, v5;
	v3 =	vadd.s32 v0, v3;
	v62 =	vand.u32 $0xFFFFFC00, v60  }
0x41: {  	v4 =	vadd.s32 v1, v4;
	v5 =	vor.u32 v61, v62  }
0x42: {  	v5 =	vadd.s32 v1, v5;
	_ =	sdelay $0x1  }
0x43: {  	v63 =	vld.idx.msk [tilespmem:v7+s14+$0x0], $0xffff  }
0x44: {  	v3 =	vld.idx.msk [tilespmem:v3+s14+$0x0], $0xffff  }
0x45: {  	v4 =	vld.idx.msk [tilespmem:v4+s14+$0x0], $0xffff  }
0x46: {  	v5 =	vld.idx.msk [tilespmem:v5+s14+$0x0], $0xffff;
	_ =	sdelay $0x1  }
0x47: {  	[tilespmem:v2+s13+$0x80 ss:$0x1] =	vst.idx.msk $0xffff, v63  }
0x48: {  	p0 =	sne.s32 s11, $0x3;
	[tilespmem:v2+s13+$0x0 ss:$0x1] =	vst.idx.msk $0xffff, v3  }
0x49: {  	p1 =	sne.s32 s10, $0x10;
	s11 =	sadd.s32 @!p0 s3, s12;
	[tilespmem:v2+s13+$0x10 ss:$0x1] =	vst.idx.msk $0xffff, v4  }
0x4a: {  	s12 =	simm.s32 @!p0 $0x400;
	s14 =	simm.s32 @!p0 $0x16400;
	[tilespmem:v2+s13+$0x90 ss:$0x1] =	vst.idx.msk $0xffff, v5;
	s13 =	simm.s32 @!p0 $0x20000  }
0x4b: {  	[hbm4b:s11+s12] =	stream.strided.scatter @!p0 [tilespmem:s14], [sflag:$0x3], $0x6400, s13, s12, $0x38;
	[tilespmem:$0x1C800] =	vst v63  }
.Ltmp1:
0x4c: {  	_ = 	snop;
	(pc) =	sbr.rel @p1 .LBB2_2-.Ltmp1, $4  }
0x4d: {  	s11 =	simm.s32 @!p0 $0x3  }
0x4e: {  	_ =	swait.ge @!p0 [sflag:s11], $0x6400  }
0x4f: {  	[sflag:s11] =	ssyncset.done @!p0 $0x0  }
0x50: {  	s9 =	sadd.s32 $0x1, s9;
	[sflag:s11] =	ssyncadd.s32 @!p0 $0xFFFF9C00  }
0x51: {  	s8 =	sadd.s32 $0x1, s8  }
0x52: {  	p0 =	sne.s32 s8, s7  }
.Ltmp2:
0x53: {  	_ = 	snop;
	(pc) =	sbr.rel @p0 .LBB2_1-.Ltmp2, $1  }
0x54: {  	_ =	sdelay $0x3  }
0x55: {  	_ =	sfence.sel $0x180000  }
0x56: {  	[bflag:$0x0] =	sbarrier.arrive $0xFFFF  }
0x57: {  	p0 =	sne.s32 s1, $0x0;
	_ =	strace $0x90000047  }
0x58: {  	s0 =	sadd.s32 @!p0 $0x100000, s2;
	[bflag:$0x2] =	sbarrier.arrive $0xFFFF  }
0x59: {  	[sflag:s0] =	ssyncadd.tile.s32 @!p0 $0x1;
	_ =	shalt  }
.Lfunc_end2:
_tile_overlayer_lowered:
.L_overlay_start_2:
0x5a: {  	(tag) =	ssettag $0x2  }
0x5b: {  	s0 =	rddreg [dreg:$0x0];
	s2 =	stileid.u32  }
0x5c: {  	s1 =	rddreg [dreg:$0x1];
	p0 =	sne.s32 s2, $0x0  }
0x5d: {  	s3 =	rddreg [dreg:$0x2];
	[bflag:$0x3] =	sbarrier.arrive $0xFFFF;
	s2 =	simm.s32 @!p0 $0x1C03  }
0x5e: {  	[timem:s3], [sflag:s2] =	dma.local @!p0 [hbm:s0], s1  }
0x5f: {  	s0 =	simm.s32 @!p0 $0x3  }
0x60: {  	_ =	swait.ge @!p0 [sflag:s0], s1  }
0x61: {  	s1 =	ssub.s32 @!p0 $0x0, s1;
	[sflag:s0] =	ssyncset.done @!p0 $0x0  }
0x62: {  	[sflag:s0] =	ssyncadd.s32 @!p0 s1  }
0x63: {  	[bflag:$0x3] =	sbarrier.arrive $0xFFFF  }
0x64: {  	_ =	shalt  }

</sc_bundles>
